<compile_context>
chip_gen: v7x
topology: tpu7x:2x2x1
jax: 0.10.2.dev20260603
libtpu: 0.0.44.dev20260713+nightly
codegen_flags: <defaults>
</compile_context>

<pallas_src>
import jax
import jax.numpy as jnp
from jax import lax
from jax.experimental import pallas as pl
from jax.experimental.pallas import tpu as pltpu
from jax.experimental.pallas import tpu_sc as plsc

_LANES = 16
_NUM_CORES = 2
_NUM_SUBCORES = 16
_NUM_WORKERS = _NUM_CORES * _NUM_SUBCORES


def _exit_points_body(idx_hbm, out_hbm, idx_v, ep_v):
    n_idx = idx_v.shape[0]
    rows_per_w = ep_v.shape[0]
    wid = lax.axis_index("s") * _NUM_CORES + lax.axis_index("c")
    base = wid * rows_per_w

    pltpu.sync_copy(idx_hbm, idx_v)

    @plsc.parallel_loop(0, rows_per_w, step=_LANES, unroll=8)
    def init(j):
        ep_v[pl.ds(j, _LANES)] = jnp.ones((_LANES,), jnp.float32)

    zeros = jnp.zeros((_LANES,), jnp.float32)

    @plsc.parallel_loop(0, n_idx, step=_LANES, unroll=8)
    def scat(j):
        idx = idx_v[pl.ds(j, _LANES)]
        rel = idx - base
        msk = (rel >= 0) & (rel < rows_per_w)
        rel = jnp.where(msk, rel, 0)
        plsc.store_scatter(ep_v, [rel], zeros, mask=msk)

    pltpu.sync_copy(ep_v, out_hbm.at[pl.ds(base, rows_per_w)])


_DN_T = (((0,), (1,)), ((), ()))


def _select_matmul_body(ep_ref, x_ref, wm_ref, we_ref, wg_ref, y_ref, gate_ref):
    x = x_ref[...]
    exited = ep_ref[0] == 0.0
    ym = lax.dot_general(wm_ref[...], x, _DN_T, preferred_element_type=jnp.float32)
    ye = lax.dot_general(we_ref[...], x, _DN_T, preferred_element_type=jnp.float32)
    y_ref[...] = jnp.where(exited, ye, ym)
    g = lax.dot_general(wg_ref[...], x, _DN_T, preferred_element_type=jnp.float32)
    gate_ref[...] = jnp.where(exited, g, jnp.float32(jnp.inf))


def _exit_points_sc(exit_idx, B):
    rows_per_w = B // _NUM_WORKERS
    sc = pl.kernel(
        _exit_points_body,
        out_type=jax.ShapeDtypeStruct((B,), jnp.float32),
        mesh=plsc.VectorSubcoreMesh(core_axis_name="c", subcore_axis_name="s"),
        scratch_types=[
            pltpu.VMEM((exit_idx.shape[0],), jnp.int32),
            pltpu.VMEM((rows_per_w,), jnp.float32),
        ],
        compiler_params=pltpu.CompilerParams(needs_layout_passes=False),
    )
    return sc(exit_idx)


def _select_matmul_tc(exit_points, X, W_model, W_exit, w_gate, row_block=2048):
    B, d = X.shape
    num_outputs = W_model.shape[1]
    nblk = B // row_block
    grid = (nblk,)
    ep3 = exit_points.reshape(nblk, 1, row_block)
    return pl.pallas_call(
        _select_matmul_body,
        grid=grid,
        in_specs=[
            pl.BlockSpec((1, 1, row_block), lambda i: (i, 0, 0)),
            pl.BlockSpec((row_block, d), lambda i: (i, 0)),
            pl.BlockSpec((d, num_outputs), lambda i: (0, 0)),
            pl.BlockSpec((d, num_outputs), lambda i: (0, 0)),
            pl.BlockSpec((d, 1), lambda i: (0, 0)),
        ],
        out_specs=[
            pl.BlockSpec((num_outputs, row_block), lambda i: (0, i)),
            pl.BlockSpec((1, row_block), lambda i: (0, i)),
        ],
        out_shape=[
            jax.ShapeDtypeStruct((num_outputs, B), X.dtype),
            jax.ShapeDtypeStruct((1, B), X.dtype),
        ],
    )(ep3, X, W_model, W_exit, w_gate)


def kernel(X, exit_idx, W_model, W_exit, w_gate):
    B = X.shape[0]
    exit_points = _exit_points_sc(exit_idx, B)
    y_hat_t, gate_t = _select_matmul_tc(exit_points, X, W_model, W_exit, w_gate)
    return y_hat_t.T, exit_points, gate_t.reshape(B, 1)

# --- scband reference (transcript-rebuilt; emitter-appended) ---
"""Pipeline reference for scband-early-exit-model-50285477102086 (READ-ONLY COPY).

The authoritative reference and input builder live on the scoring server;
editing this copy changes nothing except your own understanding.
"""

import jax, jax.numpy as jnp
import numpy as np


def setup_inputs(seed: int = 0) -> dict:
    key = jax.random.key(seed)
    kX, kE, kW1, kW2, kG = jax.random.split(key, 5)
    B, d, num_outputs, B_exit = 16384, 128, 1000, 8192
    X = jax.random.normal(kX, (B, d), dtype=jnp.float32)
    exit_idx = jax.random.randint(kE, (B_exit,), 0, B, dtype=jnp.int32)
    W_model = jax.random.normal(kW1, (d, num_outputs), dtype=jnp.float32) * 0.02
    W_exit = jax.random.normal(kW2, (d, num_outputs), dtype=jnp.float32) * 0.02
    w_gate = jax.random.normal(kG, (d, 1), dtype=jnp.float32) * 0.02
    return {"X": X, "exit_idx": exit_idx, "W_model": W_model, "W_exit": W_exit, "w_gate": w_gate}


def reference(X, exit_idx, W_model, W_exit, w_gate):
    # Faithful translation of EarlyExitModel.forward with one attached exit module.
    # The wrapped model is a linear classifier (W_model); the exit module's
    # early classifier is W_exit and its exit gate is w_gate. exit_idx holds the
    # batch positions that took the early exit (exit_module.exit_idx).
    B = X.shape[0]
    num_outputs = W_model.shape[1]
    n_exit_modules = 1
    # last_layer_y_hat: the backbone output for samples that did not exit early.
    last_layer_y_hat = X @ W_model
    # exit_module.early_y and exit_module.should_exit_results
    x_exit = jnp.take(X, exit_idx, axis=0)
    early_y = x_exit @ W_exit
    should_exit_results = x_exit @ w_gate
    # y_hat = torch.empty(...); y_hat[original_idx] = early_y  (scatter-overwrite)
    y_hat = jnp.zeros((B, num_outputs), dtype=X.dtype).at[exit_idx].set(early_y)
    exit_gate_logits = jnp.zeros((B, 1), dtype=X.dtype).at[exit_idx].set(should_exit_results)
    # exit_points = ones * len(exit_modules); exit_points[original_idx] = i (=0)
    exit_points = (jnp.ones((B,), dtype=X.dtype) * n_exit_modules).at[exit_idx].set(0.0)
    # keep_mask bookkeeping: remaining idx get the backbone output and +inf gate
    keep_mask = jnp.ones((B,), dtype=bool).at[exit_idx].set(False)
    y_hat = jnp.where(keep_mask[:, None], last_layer_y_hat, y_hat)
    exit_gate_logits = jnp.where(keep_mask[:, None], jnp.asarray(jnp.inf, dtype=X.dtype), exit_gate_logits)
    return (y_hat, exit_points, exit_gate_logits)

if __name__ == "__main__":
    import jax
    _d = setup_inputs()
    print(jax.jit(kernel)(*tuple(_d.values())))

</pallas_src>

<mosaic_0001>
#map = affine_map<(d0, d1) -> (0)>
module attributes {stable_mosaic.version = 14 : i64} {
  func.func @_exit_points_body(%arg0: i32, %arg1: i32, %arg2: memref<8192xi32, #tpu.memory_space<hbm>>, %arg3: memref<16384xf32, #tpu.memory_space<hbm>>, %arg4: memref<8192xi32, #tpu.memory_space<vmem>>, %arg5: memref<512xf32, #tpu.memory_space<vmem>>) attributes {dimension_semantics = [#tpu.dimension_semantics<core_parallel>, #tpu.dimension_semantics<subcore_parallel>], iteration_bounds = array<i64: 2, 16>, scalar_prefetch = 0 : i64, scratch_operands = 2 : i64, tpu.core_type = #tpu.core_type<sc_vector_subcore>, window_params = [{transform_indices = #map}, {transform_indices = #map}]} {
    %mul3A = arith.constant 2 : i32
    %mul3A_0 = arith.muli %arg1, %mul3A : i32
    %add3A = arith.addi %mul3A_0, %arg0 : i32
    %mul3A_1 = arith.constant 512 : i32
    %mul3A_2 = arith.muli %add3A, %mul3A_1 : i32
    "tpu.region"() ({
      %run_scoped3A = tpu.sem_alloc : memref<!tpu.dma_semaphore, #tpu.memory_space<semaphore_mem>>
      tpu.enqueue_dma source(%arg2 : memref<8192xi32, #tpu.memory_space<hbm>>) target(%arg4 : memref<8192xi32, #tpu.memory_space<vmem>>) target_semaphore(%run_scoped3A : memref<!tpu.dma_semaphore, #tpu.memory_space<semaphore_mem>>)
      tpu.wait_dma2 semaphore(%run_scoped3A : memref<!tpu.dma_semaphore, #tpu.memory_space<semaphore_mem>>) src(%arg2 : memref<8192xi32, #tpu.memory_space<hbm>>) dst(%arg4 : memref<8192xi32, #tpu.memory_space<vmem>>)
      tpu.yield
    }) : () -> ()
    %parallel_loop3A = arith.constant 0 : i32
    %parallel_loop3A_3 = arith.constant 512 : i32
    %parallel_loop3A_4 = arith.constant 16 : i32
    scf.for %parallel_loop3A_9 = %parallel_loop3A to %parallel_loop3A_3 step %parallel_loop3A_4  : i32 {
      %parallel_loop3A_10 = arith.constant 1.000000e+00 : f32
      %parallel_loop3A_11 = vector.broadcast %parallel_loop3A_10 : f32 to vector<16xf32>
      %parallel_loop3A_12 = arith.index_cast %parallel_loop3A_9 : i32 to index
      %parallel_loop3A_13 = tpu.vector_load %arg5[%parallel_loop3A_12] {strides = array<i32>} : memref<512xf32, #tpu.memory_space<vmem>>, vector<16xf32>,
      tpu.vector_store %arg5[%parallel_loop3A_12], %parallel_loop3A_11 {strides = array<i32>} : memref<512xf32, #tpu.memory_space<vmem>>, vector<16xf32>,
    } {sc.loop_unroll_factor = 8 : i64, sc.parallel_access}
    %broadcast_in_dim3A = arith.constant 0.000000e+00 : f32
    %broadcast_in_dim3A_5 = vector.broadcast %broadcast_in_dim3A : f32 to vector<16xf32>
    %parallel_loop3A_6 = arith.constant 0 : i32
    %parallel_loop3A_7 = arith.constant 8192 : i32
    %parallel_loop3A_8 = arith.constant 16 : i32
    scf.for %parallel_loop3A_9 = %parallel_loop3A_6 to %parallel_loop3A_7 step %parallel_loop3A_8  : i32 {
      %parallel_loop3A_10 = arith.index_cast %parallel_loop3A_9 : i32 to index
      %parallel_loop3A_11 = tpu.vector_load %arg4[%parallel_loop3A_10] {strides = array<i32>} : memref<8192xi32, #tpu.memory_space<vmem>>, vector<16xi32>,
      %parallel_loop3A_12 = vector.broadcast %mul3A_2 : i32 to vector<16xi32>
      %parallel_loop3A_13 = arith.subi %parallel_loop3A_11, %parallel_loop3A_12 : vector<16xi32>
      %parallel_loop3A_14 = arith.constant 0 : i32
      %parallel_loop3A_15 = vector.broadcast %parallel_loop3A_14 : i32 to vector<16xi32>
      %parallel_loop3A_16 = arith.cmpi sge, %parallel_loop3A_13, %parallel_loop3A_15 : vector<16xi32>
      %parallel_loop3A_17 = arith.constant 512 : i32
      %parallel_loop3A_18 = vector.broadcast %parallel_loop3A_17 : i32 to vector<16xi32>
      %parallel_loop3A_19 = arith.cmpi slt, %parallel_loop3A_13, %parallel_loop3A_18 : vector<16xi32>
      %parallel_loop3A_20 = arith.andi %parallel_loop3A_16, %parallel_loop3A_19 : vector<16xi1>
      %parallel_loop3A_21 = arith.constant 0 : i32
      %parallel_loop3A_22 = vector.broadcast %parallel_loop3A_21 : i32 to vector<16xi32>
      %parallel_loop3A_23 = arith.select %parallel_loop3A_20, %parallel_loop3A_13, %parallel_loop3A_22 : vector<16xi1>, vector<16xi32>
      tpu.vector_store_idx %arg5[%parallel_loop3A_23], %broadcast_in_dim3A_5 masked %parallel_loop3A_20 : memref<512xf32, #tpu.memory_space<vmem>>[vector<16xi32>], vector<16xf32>, vector<16xi1>
    } {sc.loop_unroll_factor = 8 : i64, sc.parallel_access}
    "tpu.region"() ({
      %run_scoped3A = tpu.sem_alloc : memref<!tpu.dma_semaphore, #tpu.memory_space<semaphore_mem>>
      %dma_start3A = tpu.memref_slice %arg3[%mul3A_2] : memref<16384xf32, #tpu.memory_space<hbm>> -> memref<512xf32, #tpu.memory_space<hbm>>
      %dma_start3A_9 = tpu.memref_slice %arg3[%mul3A_2] : memref<16384xf32, #tpu.memory_space<hbm>> -> memref<512xf32, #tpu.memory_space<hbm>>
      tpu.enqueue_dma source(%arg5 : memref<512xf32, #tpu.memory_space<vmem>>) target(%dma_start3A_9 : memref<512xf32, #tpu.memory_space<hbm>>) target_semaphore(%run_scoped3A : memref<!tpu.dma_semaphore, #tpu.memory_space<semaphore_mem>>)
      %dma_wait3A = tpu.memref_slice %arg3[%mul3A_2] : memref<16384xf32, #tpu.memory_space<hbm>> -> memref<512xf32, #tpu.memory_space<hbm>>
      %dma_wait3A_10 = tpu.memref_slice %arg3[%mul3A_2] : memref<16384xf32, #tpu.memory_space<hbm>> -> memref<512xf32, #tpu.memory_space<hbm>>
      tpu.wait_dma2 semaphore(%run_scoped3A : memref<!tpu.dma_semaphore, #tpu.memory_space<semaphore_mem>>) src(%arg5 : memref<512xf32, #tpu.memory_space<vmem>>) dst(%dma_wait3A_10 : memref<512xf32, #tpu.memory_space<hbm>>)
      tpu.yield
    }) : () -> ()
    return
  }
}

module attributes {stable_mosaic.version = 14 : i64} {
  func.func @_select_matmul_body(%arg0: i32, %arg1: memref<1x1x2048xf32, #tpu.memory_space<vmem>>, %arg2: memref<2048x128xf32, #tpu.memory_space<vmem>>, %arg3: memref<128x1000xf32, #tpu.memory_space<vmem>>, %arg4: memref<128x1000xf32, #tpu.memory_space<vmem>>, %arg5: memref<128x1xf32, #tpu.memory_space<vmem>>, %arg6: memref<1000x2048xf32, #tpu.memory_space<vmem>>, %arg7: memref<1x2048xf32, #tpu.memory_space<vmem>>) attributes {dimension_semantics = [#tpu.dimension_semantics<arbitrary>], iteration_bounds = array<i64: 8>, scalar_prefetch = 0 : i64, scratch_operands = 0 : i64, tpu.core_type = #tpu.core_type<tc>, window_params = [{transform_indices = @transform_0, window_bounds = array<i64: 1, 1, 2048>}, {transform_indices = @transform_1, window_bounds = array<i64: 2048, 128>}, {pipeline_mode = #tpu.pipeline_mode<synchronous>, transform_indices = @transform_2, window_bounds = array<i64: 128, 1000>}, {pipeline_mode = #tpu.pipeline_mode<synchronous>, transform_indices = @transform_3, window_bounds = array<i64: 128, 1000>}, {pipeline_mode = #tpu.pipeline_mode<synchronous>, transform_indices = @transform_4, window_bounds = array<i64: 128, 1>}, {transform_indices = @transform_5, window_bounds = array<i64: 1000, 2048>}, {transform_indices = @transform_6, window_bounds = array<i64: 1, 2048>}]} {
    %get3A = arith.constant 0 : index
    %get3A_0 = arith.constant 0 : index
    %get3A_1 = vector.load %arg2[%get3A, %get3A_0] : memref<2048x128xf32, #tpu.memory_space<vmem>>, vector<2048x128xf32>
    %get3A_2 = arith.constant 0 : index
    %get3A_3 = arith.constant 0 : index
    %get3A_4 = arith.constant 0 : index
    %get3A_5 = vector.load %arg1[%get3A_2, %get3A_3, %get3A_4] : memref<1x1x2048xf32, #tpu.memory_space<vmem>>, vector<1x1x2048xf32>
    %get3A_6 = vector.shape_cast %get3A_5 : vector<1x1x2048xf32> to vector<1x2048xf32>
    %eq3A = arith.constant 0.000000e+00 : f32
    %eq3A_7 = vector.broadcast %eq3A : f32 to vector<1x2048xf32>
    %eq3A_8 = arith.cmpf oeq, %get3A_6, %eq3A_7 : vector<1x2048xf32>
    %get3A_9 = arith.constant 0 : index
    %get3A_10 = arith.constant 0 : index
    %get3A_11 = vector.load %arg3[%get3A_9, %get3A_10] : memref<128x1000xf32, #tpu.memory_space<vmem>>, vector<128x1000xf32>
    %dot_general3A = arith.constant dense<0.000000e+00> : vector<1000x2048xf32>
    %dot_general3A_12 = tpu.matmul %get3A_11, %get3A_1, %dot_general3A {dimension_numbers = #tpu.dot_dimension_numbers<[0], [1], [1], [0], [0, 1, 1, 0], [], []>, transpose_lhs_hint = false} : vector<128x1000xf32>, vector<2048x128xf32>, vector<1000x2048xf32> -> vector<1000x2048xf32>
    %get3A_13 = arith.constant 0 : index
    %get3A_14 = arith.constant 0 : index
    %get3A_15 = vector.load %arg4[%get3A_13, %get3A_14] : memref<128x1000xf32, #tpu.memory_space<vmem>>, vector<128x1000xf32>
    %dot_general3A_16 = arith.constant dense<0.000000e+00> : vector<1000x2048xf32>
    %dot_general3A_17 = tpu.matmul %get3A_15, %get3A_1, %dot_general3A_16 {dimension_numbers = #tpu.dot_dimension_numbers<[0], [1], [1], [0], [0, 1, 1, 0], [], []>, transpose_lhs_hint = false} : vector<128x1000xf32>, vector<2048x128xf32>, vector<1000x2048xf32> -> vector<1000x2048xf32>
    %broadcast_in_dim3A = vector.shape_cast %eq3A_8 : vector<1x2048xi1> to vector<1x2048xi1>
    %broadcast_in_dim3A_18 = vector.broadcast %broadcast_in_dim3A : vector<1x2048xi1> to vector<1000x2048xi1>
    %select_n3A = arith.select %broadcast_in_dim3A_18, %dot_general3A_17, %dot_general3A_12 : vector<1000x2048xi1>, vector<1000x2048xf32>
    %swap3A = arith.constant 0 : index
    %swap3A_19 = arith.constant 0 : index
    %swap3A_20 = vector.load %arg6[%swap3A, %swap3A_19] : memref<1000x2048xf32, #tpu.memory_space<vmem>>, vector<1000x2048xf32>
    tpu.vector_store %arg6[%swap3A, %swap3A_19], %select_n3A {strides = array<i32>} : memref<1000x2048xf32, #tpu.memory_space<vmem>>, vector<1000x2048xf32>,
    %get3A_21 = arith.constant 0 : index
    %get3A_22 = arith.constant 0 : index
    %get3A_23 = vector.load %arg5[%get3A_21, %get3A_22] : memref<128x1xf32, #tpu.memory_space<vmem>>, vector<128x1xf32>
    %dot_general3A_24 = arith.constant dense<0.000000e+00> : vector<1x2048xf32>
    %dot_general3A_25 = tpu.matmul %get3A_23, %get3A_1, %dot_general3A_24 {dimension_numbers = #tpu.dot_dimension_numbers<[0], [1], [1], [0], [0, 1, 1, 0], [], []>, transpose_lhs_hint = false} : vector<128x1xf32>, vector<2048x128xf32>, vector<1x2048xf32> -> vector<1x2048xf32>
    %jit3A = arith.constant 0x7F800000 : f32
    %broadcast_in_dim3A_26 = vector.broadcast %jit3A : f32 to vector<1x2048xf32>
    %select_n3A_27 = arith.select %eq3A_8, %dot_general3A_25, %broadcast_in_dim3A_26 : vector<1x2048xi1>, vector<1x2048xf32>
    %swap3A_28 = arith.constant 0 : index
    %swap3A_29 = arith.constant 0 : index
    %swap3A_30 = vector.load %arg7[%swap3A_28, %swap3A_29] : memref<1x2048xf32, #tpu.memory_space<vmem>>, vector<1x2048xf32>
    tpu.vector_store %arg7[%swap3A_28, %swap3A_29], %select_n3A_27 {strides = array<i32>} : memref<1x2048xf32, #tpu.memory_space<vmem>>, vector<1x2048xf32>,
    return
  }
  func.func @transform_0(%arg0: i32) -> (i32, i32, i32) {
    %c0_i32 = arith.constant 0 : i32
    %c0_i32_0 = arith.constant 0 : i32
    %c0_i32_1 = arith.constant 0 : i32
    return %arg0, %c0_i32, %c0_i32_0 : i32, i32, i32
  }
  func.func @transform_1(%arg0: i32) -> (i32, i32) {
    %c0_i32 = arith.constant 0 : i32
    %c0_i32_0 = arith.constant 0 : i32
    return %arg0, %c0_i32 : i32, i32
  }
  func.func @transform_2(%arg0: i32) -> (i32, i32) {
    %c0_i32 = arith.constant 0 : i32
    %c0_i32_0 = arith.constant 0 : i32
    %c0_i32_1 = arith.constant 0 : i32
    return %c0_i32, %c0_i32_0 : i32, i32
  }
  func.func @transform_3(%arg0: i32) -> (i32, i32) {
    %c0_i32 = arith.constant 0 : i32
    %c0_i32_0 = arith.constant 0 : i32
    %c0_i32_1 = arith.constant 0 : i32
    return %c0_i32, %c0_i32_0 : i32, i32
  }
  func.func @transform_4(%arg0: i32) -> (i32, i32) {
    %c0_i32 = arith.constant 0 : i32
    %c0_i32_0 = arith.constant 0 : i32
    %c0_i32_1 = arith.constant 0 : i32
    return %c0_i32, %c0_i32_0 : i32, i32
  }
  func.func @transform_5(%arg0: i32) -> (i32, i32) {
    %c0_i32 = arith.constant 0 : i32
    %c0_i32_0 = arith.constant 0 : i32
    return %c0_i32, %arg0 : i32, i32
  }
  func.func @transform_6(%arg0: i32) -> (i32, i32) {
    %c0_i32 = arith.constant 0 : i32
    %c0_i32_0 = arith.constant 0 : i32
    return %c0_i32, %arg0 : i32, i32
  }
}

</mosaic_0001>

<sc_bundles>
// kernel: kernel.4.cloned.1.call-start
scs
__scs_entry_jumppad:
0x0: {  	(pc) =	sbr.rel $0x88, $3  }
0x1: {  	(tag) =	ssettag $0x0;
	lr =	simm.s32 $0x1  }
0x2: {  	[smem:$0x3F9C] =	sst lr;
	_ =	strace $0xD0000000  }
0x3: {  	_ = 	snop  }
0x4: {  	_ = 	snop  }
0x5: {  	_ = 	snop  }
0x6: {  	_ = 	snop  }
0x7: {  	_ = 	snop  }
__scs_overlays_trampoline_lowered:
0x8: {  	[smem:$0x3FAB] =	sst s0  }
0x9: {  	[smem:$0x3FAC] =	sst s1  }
0xa: {  	[smem:$0x3FAD] =	sst s2  }
0xb: {  	[smem:$0x3FAE] =	sst s3  }
0xc: {  	[smem:$0x3FAF] =	sst s4  }
0xd: {  	[smem:$0x3FB0] =	sst s5  }
0xe: {  	[smem:$0x3FB1] =	sst s6  }
0xf: {  	[smem:$0x3FB2] =	sst s7  }
0x10: {  	[smem:$0x3FB3] =	sst s8  }
0x11: {  	[smem:$0x3FB4] =	sst s9;
	s0 =	simm.s32 @!p0 $0x0  }
0x12: {  	s1 =	sld [smem:$0x3F9A];
	s0 =	simm.s32 @p0 $0x1  }
0x13: {  	[smem:$0x3FB5] =	sst s0;
	s0 =	simm.s32 @!p1 $0x0  }
0x14: {  	s2 =	sld [smem:$0x3F99];
	s0 =	simm.s32 @p1 $0x1  }
0x15: {  	[smem:$0x3FB6] =	sst s0;
	s0 =	simm.s32 @!p2 $0x0  }
0x16: {  	s3 =	sld [smem:$0x3FDB];
	s0 =	simm.s32 @p2 $0x1  }
0x17: {  	s4 =	simm.s32 $0x1BF5;
	[smem:$0x3FB8] =	sst s0  }
0x18: {  	s0 =	sld [smem:$0x3F9B];
	_ =	swait.ge [sflag:s4], $0x0  }
0x19: {  	s7 =	sld [smem:$0x3F9C]  }
0x1a: {  	s8 =	sadd.s32 $0xFFFFE003, lr  }
0x1b: {  	s9 =	sadd.s32 $0xFFFFFEF7, lr;
	s5 =	simm.s32 $0xFFFFFFFF;
	p2 =	slt.u32 s8, $0xFFFFF086  }
0x1c: {  	p1 =	slt.u32 s9, $0xF7A;
	s5 =	simm.s32 @!p2 $0x0  }
0x1d: {  	s5 =	simm.s32 @p1 $0x1;
	p0 =	seq.s32 s7, s2  }
0x1e: {  	s7 =	smul.u32 @!p0 $0xF7A, s2;
	p2 =	seq.s32 @!p0 s5, $0x0  }
0x1f: {  	s9 =	smul.u32 $0xF7A, s1;
	s8 =	simm.s32 @!p0 $0x1BF5;
	p2 =	por !p2, p0  }
0x20: {  	[sflag:s8] =	ssyncset.s32 @!p0 $0xFFFFF086;
	s6 =	sadd.s32 @!p0 s3, s7;
	s7 =	simm.s32 @!p0 $0x108  }
0x21: {  	s3 =	sadd.s32 s3, s9;
	s6 =	sadd.s32 @!p0 $0x88, s6;
	s7 =	simm.s32 @p2 $0x1082  }
0x22: {  	[simem:s7], [sflag:s8] =	dma.local @!p0 [hbm:s6], $0xF7A  }
0x23: {  	s9 =	sor.u32 $0xD0000000, s2;
	s6 =	simm.s32 $0x108;
	_ =	swait.ge @!p0 [sflag:s8], $0x0  }
0x24: {  	s3 =	sadd.s32 $0x88, s3;
	s6 =	simm.s32 @!p1 $0x1082;
	[sflag:s4] =	ssyncset.s32 $0xFFFFF086  }
0x25: {  	[simem:s6], [sflag:s4] =	dma.local [hbm:s3], $0xF7A  }
0x26: {  	[smem:$0x3F9C] =	sst s1;
	(tag) =	ssettag s2;
	_ =	strace s9  }
0x27: {  	s1 =	sld [smem:$0x3FAC]  }
0x28: {  	s2 =	sld [smem:$0x3FAD]  }
0x29: {  	s4 =	sld [smem:$0x3FAF]  }
0x2a: {  	p0 =	seq.s32 s5, $0x0;
	s5 =	sld [smem:$0x3FB0]  }
0x2b: {  	s6 =	sld [smem:$0x3FB1]  }
0x2c: {  	s7 =	sld [smem:$0x3FB2]  }
0x2d: {  	s3 =	simm.s32 $0x108;
	s8 =	sld [smem:$0x3FB3]  }
0x2e: {  	s3 =	simm.s32 @!p0 $0x1082;
	s9 =	sld [smem:$0x3FB4]  }
0x2f: {  	lr =	sadd.s32 s0, s3;
	s0 =	sld [smem:$0x3FAB]  }
0x30: {  	s3 =	sld [smem:$0x3FAE]  }
0x31: {  	[smem:$0x3FB7] =	sst s10  }
0x32: {  	s10 =	sld [smem:$0x3FB5];
	_ =	sdelay $0x3  }
0x33: {  	p0 =	seq.s32 s10, $0x1;
	s10 =	sld [smem:$0x3FB7];
	_ =	sdelay $0x3  }
0x34: {  	[smem:$0x3FB7] =	sst s10  }
0x35: {  	s10 =	sld [smem:$0x3FB6];
	_ =	sdelay $0x3  }
0x36: {  	p1 =	seq.s32 s10, $0x1;
	s10 =	sld [smem:$0x3FB7];
	_ =	sdelay $0x3  }
0x37: {  	[smem:$0x3FB7] =	sst s10  }
0x38: {  	s10 =	sld [smem:$0x3FB8]  }
0x39: {  	_ = 	snop;
	(pc) =	sbr.ind lr, $3  }
0x3a: {  	_ = 	snop  }
0x3b: {  	_ = 	snop  }
0x3c: {  	p2 =	seq.s32 s10, $0x1;
	s10 =	sld [smem:$0x3FB7]  }
0x3d: {  	_ =	shalt  }
0x3e: {  	_ =	shalt  }
0x3f: {  	_ =	shalt  }
0x40: {  	_ =	shalt  }
0x41: {  	_ =	shalt  }
0x42: {  	_ =	shalt  }
0x43: {  	_ =	shalt  }
0x44: {  	_ =	shalt  }
0x45: {  	_ =	shalt  }
0x46: {  	_ =	shalt  }
0x47: {  	_ =	shalt  }
0x48: {  	_ =	shalt  }
0x49: {  	_ =	shalt  }
0x4a: {  	_ =	shalt  }
0x4b: {  	_ =	shalt  }
0x4c: {  	_ =	shalt  }
0x4d: {  	_ =	shalt  }
0x4e: {  	_ =	shalt  }
0x4f: {  	_ =	shalt  }
0x50: {  	_ =	shalt  }
0x51: {  	_ =	shalt  }
0x52: {  	_ =	shalt  }
0x53: {  	_ =	shalt  }
0x54: {  	_ =	shalt  }
0x55: {  	_ =	shalt  }
0x56: {  	_ =	shalt  }
0x57: {  	_ =	shalt  }
0x58: {  	_ =	shalt  }
0x59: {  	_ =	shalt  }
0x5a: {  	_ =	shalt  }
0x5b: {  	_ =	shalt  }
0x5c: {  	_ =	shalt  }
0x5d: {  	_ =	shalt  }
0x5e: {  	_ =	shalt  }
0x5f: {  	_ =	shalt  }
0x60: {  	_ =	shalt  }
0x61: {  	_ =	shalt  }
0x62: {  	_ =	shalt  }
0x63: {  	_ =	shalt  }
0x64: {  	_ =	shalt  }
0x65: {  	_ =	shalt  }
0x66: {  	_ =	shalt  }
0x67: {  	_ =	shalt  }
0x68: {  	_ =	shalt  }
0x69: {  	_ =	shalt  }
0x6a: {  	_ =	shalt  }
0x6b: {  	_ =	shalt  }
0x6c: {  	_ =	shalt  }
0x6d: {  	_ =	shalt  }
0x6e: {  	_ =	shalt  }
0x6f: {  	_ =	shalt  }
0x70: {  	_ =	shalt  }
0x71: {  	_ =	shalt  }
0x72: {  	_ =	shalt  }
0x73: {  	_ =	shalt  }
0x74: {  	_ =	shalt  }
0x75: {  	_ =	shalt  }
0x76: {  	_ =	shalt  }
0x77: {  	_ =	shalt  }
0x78: {  	_ =	shalt  }
0x79: {  	_ =	shalt  }
0x7a: {  	_ =	shalt  }
0x7b: {  	_ =	shalt  }
0x7c: {  	_ =	shalt  }
0x7d: {  	_ =	shalt  }
0x7e: {  	_ =	shalt  }
0x7f: {  	_ =	shalt  }
0x80: {  	_ =	shalt  }
0x81: {  	_ =	shalt  }
0x82: {  	_ =	shalt  }
0x83: {  	_ =	shalt  }
0x84: {  	_ =	shalt  }
0x85: {  	_ =	shalt  }
0x86: {  	_ =	shalt  }
0x87: {  	_ =	shalt  }
.Lfunc_end0:
.L_simem_size_0:
called_computation_lowered:
.L_overlay_start_0:
0x88: {  	s2 =	sld [smem:$0x3FD9]  }
0x89: {  	s3 =	sld [smem:$0x3FFE];
	_ =	sdelay $0x1  }
0x8a: {  	s1 =	srdreg.scid  }
0x8b: {  	s0 =	sand.u32 $0x1, s1  }
0x8c: {  	s15 =	sshll.u32 s0, $0xA;
	s2 =	sadd.s32 s3, s2  }
0x8d: {  	s2 =	sadd.s32 s2, s15  }
0x8e: {  	[smem:$0x3FC3] =	sst s2  }
0x8f: {  	_ = 	snop  }
0x90: {  	s2 =	sld [smem:$0x3FD0];
	_ =	sdelay $0x2  }
0x91: {  	s4 =	simm.s32 $0xA;
	s5 =	simm.s32 $0x10;
	s16 =	sld [smem:$0x3FC8]  }
0x92: {  	[smem:s5], [sflag:s4] =	dma.local [hbm:s2], $0x1  }
0x93: {  	_ =	swait.eq [sflag:s4], $0x1  }
0x94: {  	[sflag:s4] =	ssyncset.done $0x0  }
0x95: {  	[sflag:s4] =	ssyncadd.s32 $0xFFFFFFFF  }
0x96: {  	s17 =	sld [smem:$0x11];
	(tm) =	ssettm $0x1  }
0x97: {  	s18 =	sld [smem:$0x3FFB];
	_ =	sdelay $0x3  }
0x98: {  	_ =	strace s18  }
0x99: {  	s4 =	sld [smem:$0x3FFC];
	_ =	sdelay $0x3  }
0x9a: {  	_ =	strace s4  }
0x9b: {  	s4 =	sld [smem:$0x3FFD];
	_ =	sdelay $0x3  }
0x9c: {  	_ =	strace s4  }
0x9d: {  	_ =	strace $0x8FFFFFFF  }
0x9e: {  	s19 =	sld [smem:$0x3FDB];
	_ =	sdelay $0x1  }
0x9f: {  	s20 =	simm.s32 $_scs_section_size  }
0xa0: {  	s6 =	simm.s32 $_size__tile_overlayer_lowered;
	s7 =	simm.s32 $_tile_overlayer_lowered  }
0xa1: {  	s23 =	simm.s32 $0x1BFF;
	s22 =	sshll.u32 s7, $0x1;
	s4 =	sadd.s32 s20, s19  }
0xa2: {  	s8 =	simm.s32 $0x0;
	s21 =	sshll.u32 s6, $0x1;
	s6 =	sadd.s32 s22, s4  }
0xa3: {  	[timem:s8], [sflag:s23] =	dma.local [hbm:s6], s21  }
0xa4: {  	_ =	swait.ge [sflag:s23], s21  }
0xa5: {  	s5 =	ssub.s32 $0x0, s21;
	[sflag:s23] =	ssyncset.done $0x0  }
0xa6: {  	[sflag:s23] =	ssyncadd.s32 s5;
	_ =	sdelay $0x1  }
0xa7: {  	s24 =	simm.s32 $0x1B8B  }
0xa8: {  	_ =	swait.ge [sflag:s24], $0x1  }
0xa9: {  	[sflag:s24] =	ssyncset.done $0x0  }
0xaa: {  	s25 =	simm.s32 $0x1B8E;
	[sflag:s24] =	ssyncadd.s32 $0xFFFFFFFF  }
0xab: {  	s26 =	simm.s32 $execute0_lowered;
	[smem:$0x3FD2] =	sst s25  }
0xac: {  	s5 =	sshll.u32 s26, $0x1;
	_ =	strace $0x80000046;
	[dreg:$0x1] =	wrdreg $0xFFFFFFFF  }
0xad: {  	s28 =	simm.s32 $_size_execute0_lowered;
	s4 =	sadd.s32 s4, s5;
	[dreg:$0x0] =	wrdreg $0x0  }
0xae: {  	s5 =	sshll.u32 s28, $0x1;
	[dreg:$0x2] =	wrdreg s4  }
0xaf: {  	[dreg:$0x3] =	wrdreg s5  }
0xb0: {  	[dreg:$0x4] =	wrdreg $0xC0  }
0xb1: {  	_ =	task [dreg:s8], $0x5FFFF  }
0xb2: {  	[dreg:$0x1] =	wrdreg $0xFFFFFFFF  }
0xb3: {  	[dreg:$0x0] =	wrdreg $0x60  }
0xb4: {  	[dreg:$0x2] =	wrdreg s16  }
0xb5: {  	[dreg:$0x3] =	wrdreg s17  }
0xb6: {  	[dreg:$0x4] =	wrdreg $0x9  }
0xb7: {  	_ =	task.clear_ibuf [dreg:s8], $0x5FFFF;
	_ =	strace $0x90000046  }
0xb8: {  	s29 =	simm.s32 $0x9;
	_ =	strace $0x80000048  }
0xb9: {  	_ =	swait.ge [sflag:s29], $0x1  }
0xba: {  	[sflag:s29] =	ssyncadd.s32 $0xFFFFFFFF  }
0xbb: {  	_ =	strace $0x90000048  }
0xbc: {  	_ =	sfence  }
0xbd: {  	s30 =	sld [smem:$0x0];
	_ =	sdelay $0x2  }
0xbe: {  	s31 =	sshll.u32 s1, $0xD;
	s1 =	sshrl.u32 s1, $0x2  }
0xbf: {  	s3 =	sand.u32 $0x4000, s31;
	s1 =	sadd.s32 s1, s30  }
0xc0: {  	s0 =	sor.u32 s3, s0;
	s1 =	sshll.u32 s1, $0x11  }
0xc1: {  	s0 =	sor.u32 s1, s0  }
0xc2: {  	s0 =	sadd.s32 $0x8F2B, s0  }
0xc3: {  	[sflag:s0] =	ssyncadd.remote.s32 $0x1  }
0xc4: {  	_ =	sfence.sel $0xFFFF  }
0xc5: {  	[dreg:$0x0] =	wrdreg $0xFFFFFFFF;
	(pc) =	sbr.abs _section_cstart, $3  }
0xc6: {  	[dreg:$0x1] =	wrdreg $0xFFFFFFFF  }
0xc7: {  	_ =	task.clear_ibuf [dreg:s8], $0x2FFFF;
	_ =	strace $0x9FFFFFFF  }
0xc8: {  	(tm) =	ssettm $0x7FFFFFFF  }
0xc9: {  	_ =	shalt  }
tec
execute0_lowered:
.L_overlay_start_1:
0x0: {  	(tag) =	ssettag $0x1  }
0x1: {  	s2 =	rddreg [dreg:$0x0]  }
0x2: {  	s4 =	rddreg [dreg:$0x1];
	s3 =	srdreg.scid  }
0x3: {  	s0 =	rddreg [dreg:$0x2];
	s1 =	stileid.u32;
	s3 =	sand.u32 $0x1, s3  }
0x4: {  	s6 =	sshll.u32 s1, $0xA;
	s5 =	ssub.s32 $0x2, s3;
	s7 =	sshll.u32 s3, $0x9  }
0x5: {  	s3 =	simm.s32 $0x0;
	s8 =	sshrl.u32 s5, $0x1;
	s6 =	sor.u32 s7, s6  }
0x6: {  	[smem:$0x7FF] =	sst s3;
	s5 =	ssub.s32 s5, s8;
	s7 =	sshrl.u32 s6, $0x3  }
0x7: {  	_ =	strace $0x80000047;
	v0 =	vmov s6;
	s6 =	simm.s32 $0x1;
	s8 =	simm.s32 $0x0  }
0x8: {  	v1 =	vimm.f32 $1.000000000e+00;
	v2 =	vimm.f32 $0.0e+00;
	s4 =	sadd.s32 s4, s7;
	s5 =	smax.u32 s5, $0x1;
	s7 =	simm.s32 $0x2000  }
.LBB2_1:
0x9: {  	[tilespmem:s3], [sflag:$0x1] =	stream.linear.gather [hbm4b:s2+s3], $0x2000, $0x38;
	[tilespmem:$0x2200] =	vst v63  }
0xa: {  	_ =	swait.ge [sflag:s6], $0x2000  }
0xb: {  	[sflag:s6] =	ssyncset.done $0x0  }
0xc: {  	s9 =	simm.s32 $0x2040;
	[sflag:s6] =	ssyncadd.s32 $0xFFFFE000  }
0xd: {  	[tilespmem:s9+$0xFFFFFFC0] =	vst v1  }
0xe: {  	[tilespmem:s9+$0x30] =	vst v1  }
0xf: {  	[tilespmem:s9+$0x20] =	vst v1  }
0x10: {  	[tilespmem:s9+$0x10] =	vst v1  }
0x11: {  	[tilespmem:s9+$0x0] =	vst v1  }
0x12: {  	[tilespmem:s9+$0xFFFFFFF0] =	vst v1  }
0x13: {  	s11 =	simm.s32 $0x0;
	[tilespmem:s9+$0xFFFFFFE0] =	vst v1  }
.LBB2_2:
0x14: {  	s11 =	sadd.s32 $0x80, s11;
	[tilespmem:s9+$0xFFFFFFD0] =	vst v1;
	s9 =	sadd.s32 $0x80, s9;
	s10 =	simm.s32 $0x40  }
0x15: {  	[tilespmem:s9+$0xFFFFFFC0] =	vst v1;
	p0 =	slt.u32 s11, $0x180  }
0x16: {  	[tilespmem:s9+$0x30] =	vst v1  }
.Ltmp0:
0x17: {  	[tilespmem:s9+$0x20] =	vst v1;
	(pc) =	sbr.rel @p0 .LBB2_2-.Ltmp0, $4  }
0x18: {  	[tilespmem:s9+$0x10] =	vst v1  }
0x19: {  	[tilespmem:s9+$0x0] =	vst v1  }
0x1a: {  	[tilespmem:s9+$0xFFFFFFF0] =	vst v1  }
0x1b: {  	[tilespmem:s9+$0xFFFFFFE0] =	vst v1  }
0x1c: {  	[tilespmem:s9+$0xFFFFFFD0] =	vst v1  }
0x1d: {  	v3 =	vld [tilespmem:s10+$0x30]  }
0x1e: {  	v4 =	vld [tilespmem:s10+$0xFFFFFFD0]  }
0x1f: {  	v5 =	vld [tilespmem:s10+$0xFFFFFFE0]  }
0x20: {  	v6 =	vld [tilespmem:s10+$0xFFFFFFF0]  }
0x21: {  	v7 =	vld [tilespmem:s10+$0x0]  }
0x22: {  	v8 =	vld [tilespmem:s10+$0x10];
	v3 =	vsub.s32 v3, v0  }
0x23: {  	v9 =	vld [tilespmem:s10+$0x20];
	v4 =	vsub.s32 v4, v0;
	vm2 =	vlt.u32 v3, $0x200  }
0x24: {  	s31 =	simm.s32 $0xC0;
	v10 =	vld [tilespmem:s10+$0xFFFFFFC0];
	v5 =	vsub.s32 v5, v0;
	vm4 =	vlt.u32 v4, $0x200;
	v11 =	vnsel vm2, $0x0, v3  }
0x25: {  	v12 =	vld [tilespmem:s31+$0x30];
	vm5 =	vlt.u32 v5, $0x200;
	v13 =	vnsel vm4, $0x0, v4;
	v3 =	vsub.s32 v6, v0  }
0x26: {  	v14 =	vld [tilespmem:s31+$0xFFFFFFD0];
	v15 =	vnsel vm5, $0x0, v5;
	v5 =	vsub.s32 v7, v0;
	vm6 =	vlt.u32 v3, $0x200  }
0x27: {  	v16 =	vld [tilespmem:s31+$0xFFFFFFE0];
	v6 =	vsub.s32 v8, v0;
	vm1 =	vlt.u32 v5, $0x200;
	v17 =	vnsel vm6, $0x0, v3  }
0x28: {  	v4 =	vld [tilespmem:s31+$0xFFFFFFF0];
	v8 =	vsub.s32 v9, v0;
	vm0 =	vlt.u32 v6, $0x200;
	v5 =	vnsel vm1, $0x0, v5  }
0x29: {  	v9 =	vsub.s32 v10, v0;
	vm3 =	vlt.u32 v8, $0x200;
	v3 =	vld [tilespmem:s31+$0x0];
	v7 =	vnsel vm0, $0x0, v6;
	[tilespmem:v11+s7+$0x0] =	vst.idx.msk vm2, v2  }
0x2a: {  	v12 =	vsub.s32 v12, v0;
	v6 =	vld [tilespmem:s31+$0x10];
	v10 =	vnsel vm3, $0x0, v8;
	vm2 =	vlt.u32 v9, $0x200;
	[tilespmem:v13+s7+$0x0] =	vst.idx.msk vm4, v2  }
0x2b: {  	v8 =	vld [tilespmem:s31+$0x20];
	v13 =	vsub.s32 v14, v0;
	vm4 =	vlt.u32 v12, $0x200;
	[tilespmem:v15+s7+$0x0] =	vst.idx.msk vm5, v2;
	v9 =	vnsel vm2, $0x0, v9  }
0x2c: {  	s9 =	simm.s32 $0x80;
	s10 =	simm.s32 $0x140;
	v11 =	vld [tilespmem:s31+$0xFFFFFFC0];
	v14 =	vsub.s32 v16, v0;
	vm5 =	vlt.u32 v13, $0x200;
	v12 =	vnsel vm4, $0x0, v12;
	[tilespmem:v17+s7+$0x0] =	vst.idx.msk vm6, v2  }
.LBB2_4:
0x2d: {  	v15 =	vld [tilespmem:s10+$0x30];
	s9 =	sadd.s32 $0x80, s9;
	v13 =	vnsel vm5, $0x0, v13;
	vm6 =	vlt.u32 v14, $0x200;
	v4 =	vsub.s32 v4, v0;
	[tilespmem:v5+s7+$0x0] =	vst.idx.msk vm1, v2  }
0x2e: {  	v16 =	vld [tilespmem:s10+$0xFFFFFFD0];
	p0 =	slt.u32 s9, $0x1F80;
	v14 =	vnsel vm6, $0x0, v14;
	vm7 =	vlt.u32 v4, $0x200;
	v3 =	vsub.s32 v3, v0;
	[tilespmem:v7+s7+$0x0] =	vst.idx.msk vm0, v2  }
0x2f: {  	v17 =	vld [tilespmem:s10+$0xFFFFFFE0];
	v18 =	vnsel vm7, $0x0, v4;
	vm1 =	vlt.u32 v3, $0x200;
	v6 =	vsub.s32 v6, v0;
	[tilespmem:v10+s7+$0x0] =	vst.idx.msk vm3, v2  }
.Ltmp1:
0x30: {  	v4 =	vld [tilespmem:s10+$0xFFFFFFF0];
	v5 =	vnsel vm1, $0x0, v3;
	vm0 =	vlt.u32 v6, $0x200;
	v8 =	vsub.s32 v8, v0;
	[tilespmem:v9+s7+$0x0] =	vst.idx.msk vm2, v2;
	(pc) =	sbr.rel @p0 .LBB2_4-.Ltmp1, $4  }
0x31: {  	v3 =	vld [tilespmem:s10+$0x0];
	v9 =	vsub.s32 v11, v0;
	v7 =	vnsel vm0, $0x0, v6;
	vm3 =	vlt.u32 v8, $0x200;
	[tilespmem:v12+s7+$0x0] =	vst.idx.msk vm4, v2  }
0x32: {  	v6 =	vld [tilespmem:s10+$0x10];
	v12 =	vsub.s32 v15, v0;
	vm2 =	vlt.u32 v9, $0x200;
	[tilespmem:v13+s7+$0x0] =	vst.idx.msk vm5, v2;
	v10 =	vnsel vm3, $0x0, v8  }
0x33: {  	v13 =	vsub.s32 v16, v0;
	v8 =	vld [tilespmem:s10+$0x20];
	vm4 =	vlt.u32 v12, $0x200;
	v9 =	vnsel vm2, $0x0, v9;
	[tilespmem:v14+s7+$0x0] =	vst.idx.msk vm6, v2  }
0x34: {  	v11 =	vld [tilespmem:s10+$0xFFFFFFC0];
	vm5 =	vlt.u32 v13, $0x200;
	v14 =	vsub.s32 v17, v0;
	v12 =	vnsel vm4, $0x0, v12;
	s10 =	sadd.s32 $0x80, s10;
	[tilespmem:v18+s7+$0x0] =	vst.idx.msk vm7, v2  }
0x35: {  	_ =	sdelay $0x4  }
0x36: {  	v13 =	vnsel vm5, $0x0, v13;
	vm6 =	vlt.u32 v14, $0x200;
	v4 =	vsub.s32 v4, v0;
	[tilespmem:v5+s7+$0x0] =	vst.idx.msk vm1, v2  }
0x37: {  	[tilespmem:v7+s7+$0x0] =	vst.idx.msk vm0, v2;
	v61 =	vnsel vm6, $0x0, v14;
	vm11 =	vlt.u32 v4, $0x200;
	v3 =	vsub.s32 v3, v0  }
0x38: {  	[tilespmem:v10+s7+$0x0] =	vst.idx.msk vm3, v2;
	v4 =	vnsel vm11, $0x0, v4;
	vm12 =	vlt.u32 v3, $0x200;
	v6 =	vsub.s32 v6, v0  }
0x39: {  	[tilespmem:v9+s7+$0x0] =	vst.idx.msk vm2, v2;
	v3 =	vnsel vm12, $0x0, v3;
	vm13 =	vlt.u32 v6, $0x200;
	v62 =	vsub.s32 v8, v0  }
0x3a: {  	[tilespmem:v12+s7+$0x0] =	vst.idx.msk vm4, v2;
	v63 =	vsub.s32 v11, v0;
	v6 =	vnsel vm13, $0x0, v6;
	vm14 =	vlt.u32 v62, $0x200  }
0x3b: {  	vm15 =	vlt.u32 v63, $0x200;
	[tilespmem:v13+s7+$0x0] =	vst.idx.msk vm5, v2;
	v7 =	vnsel vm14, $0x0, v62  }
0x3c: {  	v8 =	vnsel vm15, $0x0, v63;
	[tilespmem:v61+s7+$0x0] =	vst.idx.msk vm6, v2  }
0x3d: {  	[tilespmem:v4+s7+$0x0] =	vst.idx.msk vm11, v2  }
0x3e: {  	[tilespmem:v3+s7+$0x0] =	vst.idx.msk vm12, v2  }
0x3f: {  	s8 =	sadd.s32 $0x1, s8;
	[tilespmem:v6+s7+$0x0] =	vst.idx.msk vm13, v2  }
0x40: {  	p0 =	sne.s32 s8, s5;
	[tilespmem:v7+s7+$0x0] =	vst.idx.msk vm14, v2  }
.Ltmp2:
0x41: {  	[tilespmem:v8+s7+$0x0] =	vst.idx.msk vm15, v2;
	(pc) =	sbr.rel @p0 .LBB2_1-.Ltmp2, $4  }
0x42: {  	[hbm4b:s4+s3] =	stream.linear.scatter [tilespmem:s7], [sflag:$0x1], $0x200, $0x38;
	[tilespmem:$0x2200] =	vst v63  }
0x43: {  	_ =	swait.ge [sflag:s6], $0x200  }
0x44: {  	[sflag:s6] =	ssyncset.done $0x0  }
0x45: {  	[sflag:s6] =	ssyncadd.s32 $0xFFFFFE00  }
0x46: {  	_ =	sfence.sel $0x180000  }
0x47: {  	[bflag:$0x0] =	sbarrier.arrive $0xFFFF  }
0x48: {  	p0 =	sne.s32 s1, $0x0;
	_ =	strace $0x90000047  }
0x49: {  	s0 =	sadd.s32 @!p0 $0x100000, s0;
	[bflag:$0x2] =	sbarrier.arrive $0xFFFF  }
0x4a: {  	[sflag:s0] =	ssyncadd.tile.s32 @!p0 $0x1;
	_ =	shalt  }
.Lfunc_end2:
_tile_overlayer_lowered:
.L_overlay_start_2:
0x4b: {  	(tag) =	ssettag $0x2  }
0x4c: {  	s0 =	rddreg [dreg:$0x0];
	s2 =	stileid.u32  }
0x4d: {  	s1 =	rddreg [dreg:$0x1];
	p0 =	sne.s32 s2, $0x0  }
0x4e: {  	s3 =	rddreg [dreg:$0x2];
	[bflag:$0x3] =	sbarrier.arrive $0xFFFF;
	s2 =	simm.s32 @!p0 $0x1C01  }
0x4f: {  	[timem:s3], [sflag:s2] =	dma.local @!p0 [hbm:s0], s1  }
0x50: {  	s0 =	simm.s32 @!p0 $0x1  }
0x51: {  	_ =	swait.ge @!p0 [sflag:s0], s1  }
0x52: {  	s1 =	ssub.s32 @!p0 $0x0, s1;
	[sflag:s0] =	ssyncset.done @!p0 $0x0  }
0x53: {  	[sflag:s0] =	ssyncadd.s32 @!p0 s1  }
0x54: {  	[bflag:$0x3] =	sbarrier.arrive $0xFFFF  }
0x55: {  	_ =	shalt  }

</sc_bundles>
